<compile_context>
chip_gen: v7x
topology: tpu7x:2x2x1
jax: 0.10.2.dev20260603
libtpu: 0.0.44.dev20260713+nightly
codegen_flags: <defaults>
</compile_context>

<pallas_src>
import jax
import jax.numpy as jnp
from jax import lax
from jax.experimental import pallas as pl
from jax.experimental.pallas import tpu as pltpu
from jax.experimental.pallas import tpu_sc as plsc

_F = 128
_NPIDS = 100000
_NCQ = 5000
_SCALE = 30.0
_B = 1024
_LOG2E = 1.4426950408889634
_LN2 = 0.6931471805599453

_NL_TILE = 10000
_KL = _NPIDS // _NL_TILE
_NC_TILE = 5000
_KC = _NCQ // _NC_TILE
_K = _KL + _KC

_NW = 32
_BPW = _B // _NW


def _sc_gather_body(table_hbm, idx_hbm, out_hbm, idx_v, rows_v, sem):
    wid = lax.axis_index("s") * 2 + lax.axis_index("c")
    base = wid * _BPW
    pltpu.sync_copy(idx_hbm.at[pl.ds(base, _BPW)], idx_v)
    pltpu.async_copy(table_hbm.at[idx_v], rows_v, sem).wait()
    pltpu.sync_copy(rows_v, out_hbm.at[pl.ds(base, _BPW)])


def _gather_label_rows(lut, idx):
    mesh = plsc.VectorSubcoreMesh(core_axis_name="c", subcore_axis_name="s")
    return pl.kernel(
        _sc_gather_body,
        mesh=mesh,
        out_type=jax.ShapeDtypeStruct((_B, _F), jnp.float32),
        scratch_types=[
            pltpu.VMEM((_BPW,), jnp.int32),
            pltpu.VMEM((_BPW, _F), jnp.float32),
            pltpu.SemaphoreType.DMA,
        ],
    )(lut, idx)


def _body(x_ref, lab_ref, iou_ref, g_ref, lut_ref, cq_ref, out_ref,
          xh_ref, xh16_ref, m_ref, s_ref, nb_ref):
    k = pl.program_id(0)

    @pl.when(k == 0)
    def _init():
        x = x_ref[...]
        ss = jnp.sum(x * x, axis=1, keepdims=True)
        nrm = jnp.maximum(jnp.sqrt(ss), 1e-12)
        xh_ref[...] = x * (_SCALE / nrm)
        xh16_ref[...] = (xh_ref[...] * _LOG2E).astype(jnp.bfloat16)
        m_ref[...] = jnp.full((_B, 1), -1e30, jnp.float32)
        s_ref[...] = jnp.zeros((_B, 1), jnp.float32)
        nb_ref[...] = jnp.zeros((1, 1), jnp.float32)

    def _process(tbl):
        tbl16 = tbl.astype(jnp.bfloat16)
        ones = jnp.ones((1, _F), jnp.bfloat16)
        q = jax.lax.dot_general(ones, tbl16 * tbl16,
                                (((1,), (1,)), ((), ())),
                                preferred_element_type=jnp.float32)
        nb_ref[...] += jnp.sum(jnp.where(q == 0.0, 1.0, 0.0),
                               axis=(0, 1), keepdims=True)
        bound = (_SCALE * _LOG2E * 1.01) * jnp.sqrt(
            jnp.max(q, axis=(0, 1), keepdims=True))
        p = jax.lax.dot_general(xh16_ref[...], tbl16,
                                (((1,), (1,)), ((), ())),
                                preferred_element_type=jnp.float32)
        m_old = m_ref[...]
        m_new = jnp.maximum(m_old, bound)
        s_ref[...] = (s_ref[...] * jnp.exp2(m_old - m_new)
                      + jnp.sum(jnp.exp2(p - m_new), axis=1, keepdims=True))
        m_ref[...] = m_new

    @pl.when(k < _KL)
    def _lut_step():
        _process(lut_ref[...])

    @pl.when(k >= _KL)
    def _cq_step():
        _process(cq_ref[...])

    @pl.when(k == _K - 1)
    def _finish():
        lab = lab_ref[...]
        iou = iou_ref[...]
        g = g_ref[...]
        xh = xh_ref[...]
        d = jnp.sum(xh * g, axis=1, keepdims=True)
        gz = jnp.sum(jnp.abs(g), axis=1, keepdims=True)
        bad_l = gz == 0.0
        a = jnp.where(bad_l, -_SCALE, d)
        b = jnp.where(bad_l, _SCALE, d)
        m_raw = m_ref[...] * _LN2
        nb = nb_ref[...]
        s_raw = ((s_ref[...] - nb * jnp.exp(jnp.minimum(-m_raw, 0.0)))
                 + nb * jnp.exp(jnp.minimum(-_SCALE - m_raw, 0.0)))
        m2 = jnp.maximum(m_raw, b)
        s2 = (s_raw * jnp.exp(m_raw - m2)
              - jnp.exp(a - m2) + jnp.exp(b - m2))
        lse = m2 + jnp.log(s2)
        valid = lab < _NPIDS
        terms = jnp.where(valid, iou * iou * (lse - b), 0.0)
        nvalid = jnp.sum(jnp.where(valid, 1.0, 0.0), axis=(0, 1),
                         keepdims=True)
        out_ref[...] = jnp.sum(terms, axis=(0, 1), keepdims=True) / nvalid


def kernel(inputs, label, iou, lut, cq):
    lab_safe = jnp.clip(label, 0, _NPIDS - 1)
    g = _gather_label_rows(lut, lab_safe)
    lab2 = label.reshape(_B, 1)
    iou2 = iou.reshape(_B, 1)
    out = pl.pallas_call(
        _body,
        grid=(_K,),
        in_specs=[
            pl.BlockSpec((_B, _F), lambda k: (0, 0)),
            pl.BlockSpec((_B, 1), lambda k: (0, 0)),
            pl.BlockSpec((_B, 1), lambda k: (0, 0)),
            pl.BlockSpec((_B, _F), lambda k: (0, 0)),
            pl.BlockSpec((_NL_TILE, _F),
                         lambda k: (jnp.minimum(k, _KL - 1), 0)),
            pl.BlockSpec((_NC_TILE, _F),
                         lambda k: (jnp.maximum(k - _KL, 0), 0)),
        ],
        out_specs=pl.BlockSpec((1, 1), lambda k: (0, 0)),
        out_shape=jax.ShapeDtypeStruct((1, 1), jnp.float32),
        scratch_shapes=[
            pltpu.VMEM((_B, _F), jnp.float32),
            pltpu.VMEM((_B, _F), jnp.bfloat16),
            pltpu.VMEM((_B, 1), jnp.float32),
            pltpu.VMEM((_B, 1), jnp.float32),
            pltpu.VMEM((1, 1), jnp.float32),
        ],
        compiler_params=pltpu.CompilerParams(
            dimension_semantics=("arbitrary",),
        ),
    )(inputs, lab2, iou2, g, lut, cq)
    return out[0, 0]

# --- scband reference (transcript-rebuilt; emitter-appended) ---
"""Pipeline reference for scband-oimloss-io-u-9105330668000 (READ-ONLY COPY).

The authoritative reference and input builder live on the scoring server;
editing this copy changes nothing except your own understanding.
"""

import jax, jax.numpy as jnp
import numpy as np

NUM_FEATURES = 128
NUM_PIDS = 100000
NUM_CQ = 5000
OIM_SCALAR = 30.0
B = 1024


def setup_inputs(seed: int = 0) -> dict:
    key = jax.random.key(seed)
    k1, k2, k3 = jax.random.split(key, 3)
    inputs = jax.random.normal(k1, (B, NUM_FEATURES), dtype=jnp.float32)
    label = jax.random.randint(k2, (B,), 0, NUM_PIDS + 1, dtype=jnp.int32)
    iou = jax.random.uniform(k3, (B,), dtype=jnp.float32)
    # registered buffers: initialized to zeros exactly as in the torch module
    lut = jnp.zeros((NUM_PIDS, NUM_FEATURES), dtype=jnp.float32)
    cq = jnp.zeros((NUM_CQ, NUM_FEATURES), dtype=jnp.float32)
    return {"inputs": inputs, "label": label, "iou": iou, "lut": lut, "cq": cq}


def reference(inputs, label, iou, lut, cq):
    x = inputs.reshape(-1, NUM_FEATURES)
    x = x / jnp.maximum(jnp.linalg.norm(x, axis=1, keepdims=True), 1e-12)
    nb = x.shape[0]
    rows = jnp.arange(nb)

    bad_lut_mask = jnp.all(lut == 0, axis=1)              # [num_pids]
    label_safe = jnp.clip(label, 0, NUM_PIDS - 1)
    bad_pos_mask = jnp.where(label < NUM_PIDS, bad_lut_mask[label_safe], False)
    bad_cq_mask = jnp.all(cq == 0, axis=1)                # [num_cq]

    outputs_labeled = x @ lut.T                           # [B, num_pids]
    outputs_labeled = jnp.where(bad_lut_mask[None, :], -1.0, outputs_labeled)
    cur = outputs_labeled[rows, label_safe]
    outputs_labeled = outputs_labeled.at[rows, label_safe].set(
        jnp.where(bad_pos_mask, 1.0, cur))

    outputs_unlabeled = x @ cq.T                          # [B, num_cq]
    outputs_unlabeled = jnp.where(bad_cq_mask[None, :], -1.0, outputs_unlabeled)

    projected = jnp.concatenate([outputs_labeled, outputs_unlabeled], axis=1)
    projected = projected * OIM_SCALAR

    # scatter iou into soft-target matrix at the label column
    prob_labels = jnp.zeros_like(projected).at[rows, label].set(iou)

    logp = jax.nn.log_softmax(projected, axis=1)
    ce = -jnp.sum(prob_labels * logp, axis=1)             # soft-target CE per row

    ignore_mask = (label != NUM_PIDS)
    n = jnp.sum(ignore_mask).astype(projected.dtype)
    loss_oim = jnp.sum(ce * iou * jnp.where(ignore_mask, 1.0, 0.0)) / n
    return loss_oim

if __name__ == "__main__":
    import jax
    _d = setup_inputs()
    print(jax.jit(kernel)(*tuple(_d.values())))

</pallas_src>

<mosaic_0001>
#map = affine_map<(d0, d1) -> (0, 0)>
#map1 = affine_map<(d0, d1) -> (0)>
module attributes {stable_mosaic.version = 14 : i64} {
  func.func @_sc_gather_body(%arg0: i32, %arg1: i32, %arg2: memref<100000x128xf32, #tpu.memory_space<hbm>>, %arg3: memref<1024xi32, #tpu.memory_space<hbm>>, %arg4: memref<1024x128xf32, #tpu.memory_space<hbm>>, %arg5: memref<32xi32, #tpu.memory_space<vmem>>, %arg6: memref<32x128xf32, #tpu.memory_space<vmem>>, %arg7: memref<!tpu.dma_semaphore, #tpu.memory_space<semaphore_mem>>) attributes {dimension_semantics = [#tpu.dimension_semantics<core_parallel>, #tpu.dimension_semantics<subcore_parallel>], iteration_bounds = array<i64: 2, 16>, scalar_prefetch = 0 : i64, scratch_operands = 3 : i64, tpu.core_type = #tpu.core_type<sc_vector_subcore>, window_params = [{transform_indices = #map}, {transform_indices = #map1}, {transform_indices = #map}]} {
    %mul3A = arith.constant 2 : i32
    %mul3A_0 = arith.muli %arg1, %mul3A : i32
    %add3A = arith.addi %mul3A_0, %arg0 : i32
    %mul3A_1 = arith.constant 32 : i32
    %mul3A_2 = arith.muli %add3A, %mul3A_1 : i32
    "tpu.region"() ({
      %run_scoped3A = tpu.sem_alloc : memref<!tpu.dma_semaphore, #tpu.memory_space<semaphore_mem>>
      %dma_start3A_7 = tpu.memref_slice %arg3[%mul3A_2] : memref<1024xi32, #tpu.memory_space<hbm>> -> memref<32xi32, #tpu.memory_space<hbm>>
      %dma_start3A_8 = tpu.memref_slice %arg3[%mul3A_2] : memref<1024xi32, #tpu.memory_space<hbm>> -> memref<32xi32, #tpu.memory_space<hbm>>
      tpu.enqueue_dma source(%dma_start3A_8 : memref<32xi32, #tpu.memory_space<hbm>>) target(%arg5 : memref<32xi32, #tpu.memory_space<vmem>>) target_semaphore(%run_scoped3A : memref<!tpu.dma_semaphore, #tpu.memory_space<semaphore_mem>>)
      %dma_wait3A_9 = tpu.memref_slice %arg3[%mul3A_2] : memref<1024xi32, #tpu.memory_space<hbm>> -> memref<32xi32, #tpu.memory_space<hbm>>
      %dma_wait3A_10 = tpu.memref_slice %arg3[%mul3A_2] : memref<1024xi32, #tpu.memory_space<hbm>> -> memref<32xi32, #tpu.memory_space<hbm>>
      tpu.wait_dma2 semaphore(%run_scoped3A : memref<!tpu.dma_semaphore, #tpu.memory_space<semaphore_mem>>) src(%dma_wait3A_10 : memref<32xi32, #tpu.memory_space<hbm>>) dst(%arg5 : memref<32xi32, #tpu.memory_space<vmem>>)
      tpu.yield
    }) : () -> ()
    %dma_start3A = arith.constant 0 : i32
    %dma_start3A_3 = arith.constant 0 : i32
    %dma_start3A_4 = tpu.memref_slice %arg2[%dma_start3A, %dma_start3A_3] : memref<100000x128xf32, #tpu.memory_space<hbm>> -> memref<100000x128xf32, #tpu.memory_space<hbm>>
    tpu.enqueue_indirect_dma source(%dma_start3A_4 : memref<100000x128xf32, #tpu.memory_space<hbm>>) target(%arg6 : memref<32x128xf32, #tpu.memory_space<vmem>>) offsets(%arg5 : memref<32xi32, #tpu.memory_space<vmem>>) semaphore(%arg7 : memref<!tpu.dma_semaphore, #tpu.memory_space<semaphore_mem>>)
    %dma_wait3A = arith.constant 0 : i32
    %dma_wait3A_5 = arith.constant 0 : i32
    %dma_wait3A_6 = tpu.memref_slice %arg2[%dma_wait3A, %dma_wait3A_5] : memref<100000x128xf32, #tpu.memory_space<hbm>> -> memref<100000x128xf32, #tpu.memory_space<hbm>>
    tpu.wait_indirect_dma semaphore(%arg7 : memref<!tpu.dma_semaphore, #tpu.memory_space<semaphore_mem>>) src(%dma_wait3A_6 : memref<100000x128xf32, #tpu.memory_space<hbm>>) dst(%arg6 : memref<32x128xf32, #tpu.memory_space<vmem>>)
    "tpu.region"() ({
      %run_scoped3A = tpu.sem_alloc : memref<!tpu.dma_semaphore, #tpu.memory_space<semaphore_mem>>
      %dma_start3A_7 = arith.constant 0 : i32
      %dma_start3A_8 = tpu.memref_slice %arg4[%mul3A_2, %dma_start3A_7] : memref<1024x128xf32, #tpu.memory_space<hbm>> -> memref<32x128xf32, #tpu.memory_space<hbm>>
      %dma_start3A_9 = arith.constant 0 : i32
      %dma_start3A_10 = tpu.memref_slice %arg4[%mul3A_2, %dma_start3A_9] : memref<1024x128xf32, #tpu.memory_space<hbm>> -> memref<32x128xf32, #tpu.memory_space<hbm>>
      tpu.enqueue_dma source(%arg6 : memref<32x128xf32, #tpu.memory_space<vmem>>) target(%dma_start3A_10 : memref<32x128xf32, #tpu.memory_space<hbm>>) target_semaphore(%run_scoped3A : memref<!tpu.dma_semaphore, #tpu.memory_space<semaphore_mem>>)
      %dma_wait3A_11 = arith.constant 0 : i32
      %dma_wait3A_12 = tpu.memref_slice %arg4[%mul3A_2, %dma_wait3A_11] : memref<1024x128xf32, #tpu.memory_space<hbm>> -> memref<32x128xf32, #tpu.memory_space<hbm>>
      %dma_wait3A_13 = arith.constant 0 : i32
      %dma_wait3A_14 = tpu.memref_slice %arg4[%mul3A_2, %dma_wait3A_13] : memref<1024x128xf32, #tpu.memory_space<hbm>> -> memref<32x128xf32, #tpu.memory_space<hbm>>
      tpu.wait_dma2 semaphore(%run_scoped3A : memref<!tpu.dma_semaphore, #tpu.memory_space<semaphore_mem>>) src(%arg6 : memref<32x128xf32, #tpu.memory_space<vmem>>) dst(%dma_wait3A_14 : memref<32x128xf32, #tpu.memory_space<hbm>>)
      tpu.yield
    }) : () -> ()
    return
  }
}

module attributes {stable_mosaic.version = 14 : i64} {
  func.func @_body(%arg0: i32, %arg1: memref<1024x128xf32, #tpu.memory_space<vmem>>, %arg2: memref<1024x1xi32, #tpu.memory_space<vmem>>, %arg3: memref<1024x1xf32, #tpu.memory_space<vmem>>, %arg4: memref<1024x128xf32, #tpu.memory_space<vmem>>, %arg5: memref<10000x128xf32, #tpu.memory_space<vmem>>, %arg6: memref<5000x128xf32, #tpu.memory_space<vmem>>, %arg7: memref<1x1xf32, #tpu.memory_space<vmem>>, %arg8: memref<1024x128xf32, #tpu.memory_space<vmem>>, %arg9: memref<1024x128xbf16, #tpu.memory_space<vmem>>, %arg10: memref<1024x1xf32, #tpu.memory_space<vmem>>, %arg11: memref<1024x1xf32, #tpu.memory_space<vmem>>, %arg12: memref<1x1xf32, #tpu.memory_space<vmem>>) attributes {dimension_semantics = [#tpu.dimension_semantics<arbitrary>], iteration_bounds = array<i64: 11>, scalar_prefetch = 0 : i64, scratch_operands = 5 : i64, tpu.core_type = #tpu.core_type<tc>, window_params = [{pipeline_mode = #tpu.pipeline_mode<synchronous>, transform_indices = @transform_0, window_bounds = array<i64: 1024, 128>}, {pipeline_mode = #tpu.pipeline_mode<synchronous>, transform_indices = @transform_1, window_bounds = array<i64: 1024, 1>}, {pipeline_mode = #tpu.pipeline_mode<synchronous>, transform_indices = @transform_2, window_bounds = array<i64: 1024, 1>}, {pipeline_mode = #tpu.pipeline_mode<synchronous>, transform_indices = @transform_3, window_bounds = array<i64: 1024, 128>}, {transform_indices = @transform_4, window_bounds = array<i64: 10000, 128>}, {transform_indices = @transform_5, window_bounds = array<i64: 5000, 128>}, {pipeline_mode = #tpu.pipeline_mode<synchronous>, transform_indices = @transform_6, window_bounds = array<i64: 1, 1>}]} {
    %eq3A = arith.constant 0 : i32
    %eq3A_0 = arith.cmpi eq, %arg0, %eq3A : i32
    %convert_element_type3A = arith.extui %eq3A_0 : i1 to i32
    %cond3A = arith.constant 0 : i32
    %cond3A_1 = arith.cmpi ne, %convert_element_type3A, %cond3A : i32
    scf.if %cond3A_1 {
      %get3A = arith.constant 0 : index
      %get3A_15 = arith.constant 0 : index
      %get3A_16 = vector.load %arg1[%get3A, %get3A_15] : memref<1024x128xf32, #tpu.memory_space<vmem>>, vector<1024x128xf32>
      %mul3A = arith.mulf %get3A_16, %get3A_16 : vector<1024x128xf32>
      %reduce_sum3A = arith.constant dense<0.000000e+00> : vector<1024xf32>
      %reduce_sum3A_17 = vector.multi_reduction <add>, %mul3A, %reduce_sum3A [1] : vector<1024x128xf32> to vector<1024xf32>
      %broadcast_in_dim3A = vector.shape_cast %reduce_sum3A_17 : vector<1024xf32> to vector<1024x1xf32>
      %sqrt3A = math.sqrt %broadcast_in_dim3A : vector<1024x1xf32>
      %max3A = arith.constant 9.99999996E-13 : f32
      %max3A_18 = vector.broadcast %max3A : f32 to vector<1024x1xf32>
      %max3A_19 = arith.maximumf %sqrt3A, %max3A_18 : vector<1024x1xf32>
      %div3A = arith.constant 3.000000e+01 : f32
      %div3A_20 = vector.broadcast %div3A : f32 to vector<1024x1xf32>
      %div3A_21 = arith.divf %div3A_20, %max3A_19 : vector<1024x1xf32>
      %mul3A_22 = vector.broadcast %div3A_21 : vector<1024x1xf32> to vector<1024x128xf32>
      %mul3A_23 = arith.mulf %get3A_16, %mul3A_22 : vector<1024x128xf32>
      %swap3A = arith.constant 0 : index
      %swap3A_24 = arith.constant 0 : index
      %swap3A_25 = vector.load %arg8[%swap3A, %swap3A_24] : memref<1024x128xf32, #tpu.memory_space<vmem>>, vector<1024x128xf32>
      tpu.vector_store %arg8[%swap3A, %swap3A_24], %mul3A_23 {strides = array<i32>} : memref<1024x128xf32, #tpu.memory_space<vmem>>, vector<1024x128xf32>,
      %get3A_26 = arith.constant 0 : index
      %get3A_27 = arith.constant 0 : index
      %get3A_28 = vector.load %arg8[%get3A_26, %get3A_27] : memref<1024x128xf32, #tpu.memory_space<vmem>>, vector<1024x128xf32>
      %mul3A_29 = arith.constant 1.44269502 : f32
      %mul3A_30 = vector.broadcast %mul3A_29 : f32 to vector<1024x128xf32>
      %mul3A_31 = arith.mulf %get3A_28, %mul3A_30 : vector<1024x128xf32>
      %convert_element_type3A_32 = arith.truncf %mul3A_31 : vector<1024x128xf32> to vector<1024x128xbf16>
      %swap3A_33 = arith.constant 0 : index
      %swap3A_34 = arith.constant 0 : index
      %swap3A_35 = vector.load %arg9[%swap3A_33, %swap3A_34] : memref<1024x128xbf16, #tpu.memory_space<vmem>>, vector<1024x128xbf16>
      tpu.vector_store %arg9[%swap3A_33, %swap3A_34], %convert_element_type3A_32 {strides = array<i32>} : memref<1024x128xbf16, #tpu.memory_space<vmem>>, vector<1024x128xbf16>,
      %broadcast_in_dim3A_36 = arith.constant -1.000000e+30 : f32
      %broadcast_in_dim3A_37 = vector.broadcast %broadcast_in_dim3A_36 : f32 to vector<1024x1xf32>
      %swap3A_38 = arith.constant 0 : index
      %swap3A_39 = arith.constant 0 : index
      %swap3A_40 = vector.load %arg10[%swap3A_38, %swap3A_39] : memref<1024x1xf32, #tpu.memory_space<vmem>>, vector<1024x1xf32>
      tpu.vector_store %arg10[%swap3A_38, %swap3A_39], %broadcast_in_dim3A_37 {strides = array<i32>} : memref<1024x1xf32, #tpu.memory_space<vmem>>, vector<1024x1xf32>,
      %broadcast_in_dim3A_41 = arith.constant 0.000000e+00 : f32
      %broadcast_in_dim3A_42 = vector.broadcast %broadcast_in_dim3A_41 : f32 to vector<1024x1xf32>
      %swap3A_43 = arith.constant 0 : index
      %swap3A_44 = arith.constant 0 : index
      %swap3A_45 = vector.load %arg11[%swap3A_43, %swap3A_44] : memref<1024x1xf32, #tpu.memory_space<vmem>>, vector<1024x1xf32>
      tpu.vector_store %arg11[%swap3A_43, %swap3A_44], %broadcast_in_dim3A_42 {strides = array<i32>} : memref<1024x1xf32, #tpu.memory_space<vmem>>, vector<1024x1xf32>,
      %broadcast_in_dim3A_46 = arith.constant 0.000000e+00 : f32
      %broadcast_in_dim3A_47 = vector.broadcast %broadcast_in_dim3A_46 : f32 to vector<1x1xf32>
      %swap3A_48 = arith.constant 0 : index
      %swap3A_49 = arith.constant 0 : index
      %swap3A_50 = vector.load %arg12[%swap3A_48, %swap3A_49] : memref<1x1xf32, #tpu.memory_space<vmem>>, vector<1x1xf32>
      tpu.vector_store %arg12[%swap3A_48, %swap3A_49], %broadcast_in_dim3A_47 {strides = array<i32>} : memref<1x1xf32, #tpu.memory_space<vmem>>, vector<1x1xf32>,
    } else {
    }
    %lt3A = arith.constant 10 : i32
    %lt3A_2 = arith.cmpi slt, %arg0, %lt3A : i32
    %convert_element_type3A_3 = arith.extui %lt3A_2 : i1 to i32
    %cond3A_4 = arith.constant 0 : i32
    %cond3A_5 = arith.cmpi ne, %convert_element_type3A_3, %cond3A_4 : i32
    scf.if %cond3A_5 {
      %get3A = arith.constant 0 : index
      %get3A_15 = arith.constant 0 : index
      %get3A_16 = vector.load %arg5[%get3A, %get3A_15] : memref<10000x128xf32, #tpu.memory_space<vmem>>, vector<10000x128xf32>
      %convert_element_type3A_17 = arith.truncf %get3A_16 : vector<10000x128xf32> to vector<10000x128xbf16>
      %broadcast_in_dim3A = arith.constant 1.000000e+00 : bf16
      %broadcast_in_dim3A_18 = vector.broadcast %broadcast_in_dim3A : bf16 to vector<1x128xbf16>
      %mul3A = arith.mulf %convert_element_type3A_17, %convert_element_type3A_17 : vector<10000x128xbf16>
      %dot_general3A = arith.constant dense<0.000000e+00> : vector<1x10000xf32>
      %dot_general3A_19 = tpu.matmul %broadcast_in_dim3A_18, %mul3A, %dot_general3A {dimension_numbers = #tpu.dot_dimension_numbers<[1], [1], [0], [0], [0, 0, 1, 0], [], []>, transpose_lhs_hint = false} : vector<1x128xbf16>, vector<10000x128xbf16>, vector<1x10000xf32> -> vector<1x10000xf32>
      %get3A_20 = arith.constant 0 : index
      %get3A_21 = arith.constant 0 : index
      %get3A_22 = vector.load %arg12[%get3A_20, %get3A_21] : memref<1x1xf32, #tpu.memory_space<vmem>>, vector<1x1xf32>
      %eq3A_23 = arith.constant 0.000000e+00 : f32
      %eq3A_24 = vector.broadcast %eq3A_23 : f32 to vector<1x10000xf32>
      %eq3A_25 = arith.cmpf oeq, %dot_general3A_19, %eq3A_24 : vector<1x10000xf32>
      %jit3A = arith.constant 1.000000e+00 : f32
      %jit3A_26 = arith.constant 0.000000e+00 : f32
      %broadcast_in_dim3A_27 = vector.broadcast %jit3A : f32 to vector<1x10000xf32>
      %broadcast_in_dim3A_28 = vector.broadcast %jit3A_26 : f32 to vector<1x10000xf32>
      %select_n3A = arith.select %eq3A_25, %broadcast_in_dim3A_27, %broadcast_in_dim3A_28 : vector<1x10000xi1>, vector<1x10000xf32>
      %reduce_sum3A = vector.shape_cast %select_n3A : vector<1x10000xf32> to vector<1x1x10000xf32>
      %reduce_sum3A_29 = arith.constant dense<0.000000e+00> : vector<1xf32>
      %reduce_sum3A_30 = vector.multi_reduction <add>, %reduce_sum3A, %reduce_sum3A_29 [1, 2] : vector<1x1x10000xf32> to vector<1xf32>
      %reduce_sum3A_31 = vector.shape_cast %reduce_sum3A_30 : vector<1xf32> to vector<1x1x1xf32>
      %reduce_sum3A_32 = vector.extract %reduce_sum3A_31[0, 0, 0] : f32 from vector<1x1x1xf32>
      %broadcast_in_dim3A_33 = vector.broadcast %reduce_sum3A_32 : f32 to vector<1x1xf32>
      %add3A = arith.addf %get3A_22, %broadcast_in_dim3A_33 : vector<1x1xf32>
      %swap3A = arith.constant 0 : index
      %swap3A_34 = arith.constant 0 : index
      %swap3A_35 = vector.load %arg12[%swap3A, %swap3A_34] : memref<1x1xf32, #tpu.memory_space<vmem>>, vector<1x1xf32>
      tpu.vector_store %arg12[%swap3A, %swap3A_34], %add3A {strides = array<i32>} : memref<1x1xf32, #tpu.memory_space<vmem>>, vector<1x1xf32>,
      %reduce_max3A = vector.shape_cast %dot_general3A_19 : vector<1x10000xf32> to vector<1x1x10000xf32>
      %reduce_max3A_36 = arith.constant dense<0xFF800000> : vector<1xf32>
      %reduce_max3A_37 = vector.multi_reduction <maximumf>, %reduce_max3A, %reduce_max3A_36 [1, 2] : vector<1x1x10000xf32> to vector<1xf32>
      %reduce_max3A_38 = vector.shape_cast %reduce_max3A_37 : vector<1xf32> to vector<1x1x1xf32>
      %reduce_max3A_39 = vector.extract %reduce_max3A_38[0, 0, 0] : f32 from vector<1x1x1xf32>
      %broadcast_in_dim3A_40 = vector.broadcast %reduce_max3A_39 : f32 to vector<1x1xf32>
      %sqrt3A = math.sqrt %broadcast_in_dim3A_40 : vector<1x1xf32>
      %mul3A_41 = arith.constant 43.7136612 : f32
      %mul3A_42 = vector.broadcast %mul3A_41 : f32 to vector<1x1xf32>
      %mul3A_43 = arith.mulf %mul3A_42, %sqrt3A : vector<1x1xf32>
      %get3A_44 = arith.constant 0 : index
      %get3A_45 = arith.constant 0 : index
      %get3A_46 = vector.load %arg9[%get3A_44, %get3A_45] : memref<1024x128xbf16, #tpu.memory_space<vmem>>, vector<1024x128xbf16>
      %dot_general3A_47 = arith.constant dense<0.000000e+00> : vector<1024x10000xf32>
      %dot_general3A_48 = tpu.matmul %get3A_46, %convert_element_type3A_17, %dot_general3A_47 {dimension_numbers = #tpu.dot_dimension_numbers<[1], [1], [0], [0], [0, 0, 1, 0], [], []>, transpose_lhs_hint = false} : vector<1024x128xbf16>, vector<10000x128xbf16>, vector<1024x10000xf32> -> vector<1024x10000xf32>
      %get3A_49 = arith.constant 0 : index
      %get3A_50 = arith.constant 0 : index
      %get3A_51 = vector.load %arg10[%get3A_49, %get3A_50] : memref<1024x1xf32, #tpu.memory_space<vmem>>, vector<1024x1xf32>
      %max3A = vector.broadcast %mul3A_43 : vector<1x1xf32> to vector<1024x1xf32>
      %max3A_52 = arith.maximumf %get3A_51, %max3A : vector<1024x1xf32>
      %get3A_53 = arith.constant 0 : index
      %get3A_54 = arith.constant 0 : index
      %get3A_55 = vector.load %arg11[%get3A_53, %get3A_54] : memref<1024x1xf32, #tpu.memory_space<vmem>>, vector<1024x1xf32>
      %sub3A = arith.subf %get3A_51, %max3A_52 : vector<1024x1xf32>
      %exp23A = math.exp2 %sub3A : vector<1024x1xf32>
      %mul3A_56 = arith.mulf %get3A_55, %exp23A : vector<1024x1xf32>
      %sub3A_57 = vector.broadcast %max3A_52 : vector<1024x1xf32> to vector<1024x10000xf32>
      %sub3A_58 = arith.subf %dot_general3A_48, %sub3A_57 : vector<1024x10000xf32>
      %exp23A_59 = math.exp2 %sub3A_58 : vector<1024x10000xf32>
      %reduce_sum3A_60 = arith.constant dense<0.000000e+00> : vector<1024xf32>
      %reduce_sum3A_61 = vector.multi_reduction <add>, %exp23A_59, %reduce_sum3A_60 [1] : vector<1024x10000xf32> to vector<1024xf32>
      %broadcast_in_dim3A_62 = vector.shape_cast %reduce_sum3A_61 : vector<1024xf32> to vector<1024x1xf32>
      %add3A_63 = arith.addf %mul3A_56, %broadcast_in_dim3A_62 : vector<1024x1xf32>
      %swap3A_64 = arith.constant 0 : index
      %swap3A_65 = arith.constant 0 : index
      %swap3A_66 = vector.load %arg11[%swap3A_64, %swap3A_65] : memref<1024x1xf32, #tpu.memory_space<vmem>>, vector<1024x1xf32>
      tpu.vector_store %arg11[%swap3A_64, %swap3A_65], %add3A_63 {strides = array<i32>} : memref<1024x1xf32, #tpu.memory_space<vmem>>, vector<1024x1xf32>,
      %swap3A_67 = arith.constant 0 : index
      %swap3A_68 = arith.constant 0 : index
      %swap3A_69 = vector.load %arg10[%swap3A_67, %swap3A_68] : memref<1024x1xf32, #tpu.memory_space<vmem>>, vector<1024x1xf32>
      tpu.vector_store %arg10[%swap3A_67, %swap3A_68], %max3A_52 {strides = array<i32>} : memref<1024x1xf32, #tpu.memory_space<vmem>>, vector<1024x1xf32>,
    } else {
    }
    %ge3A = arith.constant 10 : i32
    %ge3A_6 = arith.cmpi sge, %arg0, %ge3A : i32
    %convert_element_type3A_7 = arith.extui %ge3A_6 : i1 to i32
    %cond3A_8 = arith.constant 0 : i32
    %cond3A_9 = arith.cmpi ne, %convert_element_type3A_7, %cond3A_8 : i32
    scf.if %cond3A_9 {
      %get3A = arith.constant 0 : index
      %get3A_15 = arith.constant 0 : index
      %get3A_16 = vector.load %arg6[%get3A, %get3A_15] : memref<5000x128xf32, #tpu.memory_space<vmem>>, vector<5000x128xf32>
      %convert_element_type3A_17 = arith.truncf %get3A_16 : vector<5000x128xf32> to vector<5000x128xbf16>
      %broadcast_in_dim3A = arith.constant 1.000000e+00 : bf16
      %broadcast_in_dim3A_18 = vector.broadcast %broadcast_in_dim3A : bf16 to vector<1x128xbf16>
      %mul3A = arith.mulf %convert_element_type3A_17, %convert_element_type3A_17 : vector<5000x128xbf16>
      %dot_general3A = arith.constant dense<0.000000e+00> : vector<1x5000xf32>
      %dot_general3A_19 = tpu.matmul %broadcast_in_dim3A_18, %mul3A, %dot_general3A {dimension_numbers = #tpu.dot_dimension_numbers<[1], [1], [0], [0], [0, 0, 1, 0], [], []>, transpose_lhs_hint = false} : vector<1x128xbf16>, vector<5000x128xbf16>, vector<1x5000xf32> -> vector<1x5000xf32>
      %get3A_20 = arith.constant 0 : index
      %get3A_21 = arith.constant 0 : index
      %get3A_22 = vector.load %arg12[%get3A_20, %get3A_21] : memref<1x1xf32, #tpu.memory_space<vmem>>, vector<1x1xf32>
      %eq3A_23 = arith.constant 0.000000e+00 : f32
      %eq3A_24 = vector.broadcast %eq3A_23 : f32 to vector<1x5000xf32>
      %eq3A_25 = arith.cmpf oeq, %dot_general3A_19, %eq3A_24 : vector<1x5000xf32>
      %jit3A = arith.constant 1.000000e+00 : f32
      %jit3A_26 = arith.constant 0.000000e+00 : f32
      %broadcast_in_dim3A_27 = vector.broadcast %jit3A : f32 to vector<1x5000xf32>
      %broadcast_in_dim3A_28 = vector.broadcast %jit3A_26 : f32 to vector<1x5000xf32>
      %select_n3A = arith.select %eq3A_25, %broadcast_in_dim3A_27, %broadcast_in_dim3A_28 : vector<1x5000xi1>, vector<1x5000xf32>
      %reduce_sum3A = vector.shape_cast %select_n3A : vector<1x5000xf32> to vector<1x1x5000xf32>
      %reduce_sum3A_29 = arith.constant dense<0.000000e+00> : vector<1xf32>
      %reduce_sum3A_30 = vector.multi_reduction <add>, %reduce_sum3A, %reduce_sum3A_29 [1, 2] : vector<1x1x5000xf32> to vector<1xf32>
      %reduce_sum3A_31 = vector.shape_cast %reduce_sum3A_30 : vector<1xf32> to vector<1x1x1xf32>
      %reduce_sum3A_32 = vector.extract %reduce_sum3A_31[0, 0, 0] : f32 from vector<1x1x1xf32>
      %broadcast_in_dim3A_33 = vector.broadcast %reduce_sum3A_32 : f32 to vector<1x1xf32>
      %add3A = arith.addf %get3A_22, %broadcast_in_dim3A_33 : vector<1x1xf32>
      %swap3A = arith.constant 0 : index
      %swap3A_34 = arith.constant 0 : index
      %swap3A_35 = vector.load %arg12[%swap3A, %swap3A_34] : memref<1x1xf32, #tpu.memory_space<vmem>>, vector<1x1xf32>
      tpu.vector_store %arg12[%swap3A, %swap3A_34], %add3A {strides = array<i32>} : memref<1x1xf32, #tpu.memory_space<vmem>>, vector<1x1xf32>,
      %reduce_max3A = vector.shape_cast %dot_general3A_19 : vector<1x5000xf32> to vector<1x1x5000xf32>
      %reduce_max3A_36 = arith.constant dense<0xFF800000> : vector<1xf32>
      %reduce_max3A_37 = vector.multi_reduction <maximumf>, %reduce_max3A, %reduce_max3A_36 [1, 2] : vector<1x1x5000xf32> to vector<1xf32>
      %reduce_max3A_38 = vector.shape_cast %reduce_max3A_37 : vector<1xf32> to vector<1x1x1xf32>
      %reduce_max3A_39 = vector.extract %reduce_max3A_38[0, 0, 0] : f32 from vector<1x1x1xf32>
      %broadcast_in_dim3A_40 = vector.broadcast %reduce_max3A_39 : f32 to vector<1x1xf32>
      %sqrt3A = math.sqrt %broadcast_in_dim3A_40 : vector<1x1xf32>
      %mul3A_41 = arith.constant 43.7136612 : f32
      %mul3A_42 = vector.broadcast %mul3A_41 : f32 to vector<1x1xf32>
      %mul3A_43 = arith.mulf %mul3A_42, %sqrt3A : vector<1x1xf32>
      %get3A_44 = arith.constant 0 : index
      %get3A_45 = arith.constant 0 : index
      %get3A_46 = vector.load %arg9[%get3A_44, %get3A_45] : memref<1024x128xbf16, #tpu.memory_space<vmem>>, vector<1024x128xbf16>
      %dot_general3A_47 = arith.constant dense<0.000000e+00> : vector<1024x5000xf32>
      %dot_general3A_48 = tpu.matmul %get3A_46, %convert_element_type3A_17, %dot_general3A_47 {dimension_numbers = #tpu.dot_dimension_numbers<[1], [1], [0], [0], [0, 0, 1, 0], [], []>, transpose_lhs_hint = false} : vector<1024x128xbf16>, vector<5000x128xbf16>, vector<1024x5000xf32> -> vector<1024x5000xf32>
      %get3A_49 = arith.constant 0 : index
      %get3A_50 = arith.constant 0 : index
      %get3A_51 = vector.load %arg10[%get3A_49, %get3A_50] : memref<1024x1xf32, #tpu.memory_space<vmem>>, vector<1024x1xf32>
      %max3A = vector.broadcast %mul3A_43 : vector<1x1xf32> to vector<1024x1xf32>
      %max3A_52 = arith.maximumf %get3A_51, %max3A : vector<1024x1xf32>
      %get3A_53 = arith.constant 0 : index
      %get3A_54 = arith.constant 0 : index
      %get3A_55 = vector.load %arg11[%get3A_53, %get3A_54] : memref<1024x1xf32, #tpu.memory_space<vmem>>, vector<1024x1xf32>
      %sub3A = arith.subf %get3A_51, %max3A_52 : vector<1024x1xf32>
      %exp23A = math.exp2 %sub3A : vector<1024x1xf32>
      %mul3A_56 = arith.mulf %get3A_55, %exp23A : vector<1024x1xf32>
      %sub3A_57 = vector.broadcast %max3A_52 : vector<1024x1xf32> to vector<1024x5000xf32>
      %sub3A_58 = arith.subf %dot_general3A_48, %sub3A_57 : vector<1024x5000xf32>
      %exp23A_59 = math.exp2 %sub3A_58 : vector<1024x5000xf32>
      %reduce_sum3A_60 = arith.constant dense<0.000000e+00> : vector<1024xf32>
      %reduce_sum3A_61 = vector.multi_reduction <add>, %exp23A_59, %reduce_sum3A_60 [1] : vector<1024x5000xf32> to vector<1024xf32>
      %broadcast_in_dim3A_62 = vector.shape_cast %reduce_sum3A_61 : vector<1024xf32> to vector<1024x1xf32>
      %add3A_63 = arith.addf %mul3A_56, %broadcast_in_dim3A_62 : vector<1024x1xf32>
      %swap3A_64 = arith.constant 0 : index
      %swap3A_65 = arith.constant 0 : index
      %swap3A_66 = vector.load %arg11[%swap3A_64, %swap3A_65] : memref<1024x1xf32, #tpu.memory_space<vmem>>, vector<1024x1xf32>
      tpu.vector_store %arg11[%swap3A_64, %swap3A_65], %add3A_63 {strides = array<i32>} : memref<1024x1xf32, #tpu.memory_space<vmem>>, vector<1024x1xf32>,
      %swap3A_67 = arith.constant 0 : index
      %swap3A_68 = arith.constant 0 : index
      %swap3A_69 = vector.load %arg10[%swap3A_67, %swap3A_68] : memref<1024x1xf32, #tpu.memory_space<vmem>>, vector<1024x1xf32>
      tpu.vector_store %arg10[%swap3A_67, %swap3A_68], %max3A_52 {strides = array<i32>} : memref<1024x1xf32, #tpu.memory_space<vmem>>, vector<1024x1xf32>,
    } else {
    }
    %eq3A_10 = arith.constant 10 : i32
    %eq3A_11 = arith.cmpi eq, %arg0, %eq3A_10 : i32
    %convert_element_type3A_12 = arith.extui %eq3A_11 : i1 to i32
    %cond3A_13 = arith.constant 0 : i32
    %cond3A_14 = arith.cmpi ne, %convert_element_type3A_12, %cond3A_13 : i32
    scf.if %cond3A_14 {
      %get3A = arith.constant 0 : index
      %get3A_15 = arith.constant 0 : index
      %get3A_16 = vector.load %arg2[%get3A, %get3A_15] : memref<1024x1xi32, #tpu.memory_space<vmem>>, vector<1024x1xi32>
      %get3A_17 = arith.constant 0 : index
      %get3A_18 = arith.constant 0 : index
      %get3A_19 = vector.load %arg3[%get3A_17, %get3A_18] : memref<1024x1xf32, #tpu.memory_space<vmem>>, vector<1024x1xf32>
      %get3A_20 = arith.constant 0 : index
      %get3A_21 = arith.constant 0 : index
      %get3A_22 = vector.load %arg4[%get3A_20, %get3A_21] : memref<1024x128xf32, #tpu.memory_space<vmem>>, vector<1024x128xf32>
      %get3A_23 = arith.constant 0 : index
      %get3A_24 = arith.constant 0 : index
      %get3A_25 = vector.load %arg8[%get3A_23, %get3A_24] : memref<1024x128xf32, #tpu.memory_space<vmem>>, vector<1024x128xf32>
      %mul3A = arith.mulf %get3A_25, %get3A_22 : vector<1024x128xf32>
      %reduce_sum3A = arith.constant dense<0.000000e+00> : vector<1024xf32>
      %reduce_sum3A_26 = vector.multi_reduction <add>, %mul3A, %reduce_sum3A [1] : vector<1024x128xf32> to vector<1024xf32>
      %broadcast_in_dim3A = vector.shape_cast %reduce_sum3A_26 : vector<1024xf32> to vector<1024x1xf32>
      %abs3A = math.absf %get3A_22 : vector<1024x128xf32>
      %reduce_sum3A_27 = arith.constant dense<0.000000e+00> : vector<1024xf32>
      %reduce_sum3A_28 = vector.multi_reduction <add>, %abs3A, %reduce_sum3A_27 [1] : vector<1024x128xf32> to vector<1024xf32>
      %broadcast_in_dim3A_29 = vector.shape_cast %reduce_sum3A_28 : vector<1024xf32> to vector<1024x1xf32>
      %eq3A_30 = arith.constant 0.000000e+00 : f32
      %eq3A_31 = vector.broadcast %eq3A_30 : f32 to vector<1024x1xf32>
      %eq3A_32 = arith.cmpf oeq, %broadcast_in_dim3A_29, %eq3A_31 : vector<1024x1xf32>
      %jit3A = arith.constant -3.000000e+01 : f32
      %broadcast_in_dim3A_33 = vector.broadcast %jit3A : f32 to vector<1024x1xf32>
      %select_n3A = arith.select %eq3A_32, %broadcast_in_dim3A_33, %broadcast_in_dim3A : vector<1024x1xi1>, vector<1024x1xf32>
      %jit3A_34 = arith.constant 3.000000e+01 : f32
      %broadcast_in_dim3A_35 = vector.broadcast %jit3A_34 : f32 to vector<1024x1xf32>
      %select_n3A_36 = arith.select %eq3A_32, %broadcast_in_dim3A_35, %broadcast_in_dim3A : vector<1024x1xi1>, vector<1024x1xf32>
      %get3A_37 = arith.constant 0 : index
      %get3A_38 = arith.constant 0 : index
      %get3A_39 = vector.load %arg10[%get3A_37, %get3A_38] : memref<1024x1xf32, #tpu.memory_space<vmem>>, vector<1024x1xf32>
      %mul3A_40 = arith.constant 0.693147182 : f32
      %mul3A_41 = vector.broadcast %mul3A_40 : f32 to vector<1024x1xf32>
      %mul3A_42 = arith.mulf %get3A_39, %mul3A_41 : vector<1024x1xf32>
      %get3A_43 = arith.constant 0 : index
      %get3A_44 = arith.constant 0 : index
      %get3A_45 = vector.load %arg12[%get3A_43, %get3A_44] : memref<1x1xf32, #tpu.memory_space<vmem>>, vector<1x1xf32>
      %get3A_46 = arith.constant 0 : index
      %get3A_47 = arith.constant 0 : index
      %get3A_48 = vector.load %arg11[%get3A_46, %get3A_47] : memref<1024x1xf32, #tpu.memory_space<vmem>>, vector<1024x1xf32>
      %neg3A = arith.constant 0.000000e+00 : f32
      %neg3A_49 = vector.broadcast %neg3A : f32 to vector<1024x1xf32>
      %neg3A_50 = arith.subf %neg3A_49, %mul3A_42 : vector<1024x1xf32>
      %min3A = arith.constant 0.000000e+00 : f32
      %min3A_51 = vector.broadcast %min3A : f32 to vector<1024x1xf32>
      %min3A_52 = arith.minimumf %neg3A_50, %min3A_51 : vector<1024x1xf32>
      %exp3A = math.exp %min3A_52 : vector<1024x1xf32>
      %mul3A_53 = vector.broadcast %get3A_45 : vector<1x1xf32> to vector<1024x1xf32>
      %mul3A_54 = arith.mulf %mul3A_53, %exp3A : vector<1024x1xf32>
      %sub3A = arith.subf %get3A_48, %mul3A_54 : vector<1024x1xf32>
      %sub3A_55 = arith.constant -3.000000e+01 : f32
      %sub3A_56 = vector.broadcast %sub3A_55 : f32 to vector<1024x1xf32>
      %sub3A_57 = arith.subf %sub3A_56, %mul3A_42 : vector<1024x1xf32>
      %min3A_58 = arith.constant 0.000000e+00 : f32
      %min3A_59 = vector.broadcast %min3A_58 : f32 to vector<1024x1xf32>
      %min3A_60 = arith.minimumf %sub3A_57, %min3A_59 : vector<1024x1xf32>
      %exp3A_61 = math.exp %min3A_60 : vector<1024x1xf32>
      %mul3A_62 = vector.broadcast %get3A_45 : vector<1x1xf32> to vector<1024x1xf32>
      %mul3A_63 = arith.mulf %mul3A_62, %exp3A_61 : vector<1024x1xf32>
      %add3A = arith.addf %sub3A, %mul3A_63 : vector<1024x1xf32>
      %max3A = arith.maximumf %mul3A_42, %select_n3A_36 : vector<1024x1xf32>
      %sub3A_64 = arith.subf %mul3A_42, %max3A : vector<1024x1xf32>
      %exp3A_65 = math.exp %sub3A_64 : vector<1024x1xf32>
      %mul3A_66 = arith.mulf %add3A, %exp3A_65 : vector<1024x1xf32>
      %sub3A_67 = arith.subf %select_n3A, %max3A : vector<1024x1xf32>
      %exp3A_68 = math.exp %sub3A_67 : vector<1024x1xf32>
      %sub3A_69 = arith.subf %mul3A_66, %exp3A_68 : vector<1024x1xf32>
      %sub3A_70 = arith.subf %select_n3A_36, %max3A : vector<1024x1xf32>
      %exp3A_71 = math.exp %sub3A_70 : vector<1024x1xf32>
      %add3A_72 = arith.addf %sub3A_69, %exp3A_71 : vector<1024x1xf32>
      %log3A = math.log %add3A_72 : vector<1024x1xf32>
      %add3A_73 = arith.addf %max3A, %log3A : vector<1024x1xf32>
      %lt3A_74 = arith.constant 100000 : i32
      %lt3A_75 = vector.broadcast %lt3A_74 : i32 to vector<1024x1xi32>
      %lt3A_76 = arith.cmpi slt, %get3A_16, %lt3A_75 : vector<1024x1xi32>
      %mul3A_77 = arith.mulf %get3A_19, %get3A_19 : vector<1024x1xf32>
      %sub3A_78 = arith.subf %add3A_73, %select_n3A_36 : vector<1024x1xf32>
      %mul3A_79 = arith.mulf %mul3A_77, %sub3A_78 : vector<1024x1xf32>
      %jit3A_80 = arith.constant 0.000000e+00 : f32
      %broadcast_in_dim3A_81 = vector.broadcast %jit3A_80 : f32 to vector<1024x1xf32>
      %select_n3A_82 = arith.select %lt3A_76, %mul3A_79, %broadcast_in_dim3A_81 : vector<1024x1xi1>, vector<1024x1xf32>
      %jit3A_83 = arith.constant 1.000000e+00 : f32
      %jit3A_84 = arith.constant 0.000000e+00 : f32
      %broadcast_in_dim3A_85 = vector.broadcast %jit3A_83 : f32 to vector<1024x1xf32>
      %broadcast_in_dim3A_86 = vector.broadcast %jit3A_84 : f32 to vector<1024x1xf32>
      %select_n3A_87 = arith.select %lt3A_76, %broadcast_in_dim3A_85, %broadcast_in_dim3A_86 : vector<1024x1xi1>, vector<1024x1xf32>
      %reduce_sum3A_88 = vector.shape_cast %select_n3A_87 : vector<1024x1xf32> to vector<1x1024x1xf32>
      %reduce_sum3A_89 = arith.constant dense<0.000000e+00> : vector<1xf32>
      %reduce_sum3A_90 = vector.multi_reduction <add>, %reduce_sum3A_88, %reduce_sum3A_89 [1, 2] : vector<1x1024x1xf32> to vector<1xf32>
      %reduce_sum3A_91 = vector.shape_cast %reduce_sum3A_90 : vector<1xf32> to vector<1x1x1xf32>
      %reduce_sum3A_92 = vector.extract %reduce_sum3A_91[0, 0, 0] : f32 from vector<1x1x1xf32>
      %broadcast_in_dim3A_93 = vector.broadcast %reduce_sum3A_92 : f32 to vector<1x1xf32>
      %reduce_sum3A_94 = vector.shape_cast %select_n3A_82 : vector<1024x1xf32> to vector<1x1024x1xf32>
      %reduce_sum3A_95 = arith.constant dense<0.000000e+00> : vector<1xf32>
      %reduce_sum3A_96 = vector.multi_reduction <add>, %reduce_sum3A_94, %reduce_sum3A_95 [1, 2] : vector<1x1024x1xf32> to vector<1xf32>
      %reduce_sum3A_97 = vector.shape_cast %reduce_sum3A_96 : vector<1xf32> to vector<1x1x1xf32>
      %reduce_sum3A_98 = vector.extract %reduce_sum3A_97[0, 0, 0] : f32 from vector<1x1x1xf32>
      %broadcast_in_dim3A_99 = vector.broadcast %reduce_sum3A_98 : f32 to vector<1x1xf32>
      %div3A = arith.divf %broadcast_in_dim3A_99, %broadcast_in_dim3A_93 : vector<1x1xf32>
      %swap3A = arith.constant 0 : index
      %swap3A_100 = arith.constant 0 : index
      %swap3A_101 = vector.load %arg7[%swap3A, %swap3A_100] : memref<1x1xf32, #tpu.memory_space<vmem>>, vector<1x1xf32>
      tpu.vector_store %arg7[%swap3A, %swap3A_100], %div3A {strides = array<i32>} : memref<1x1xf32, #tpu.memory_space<vmem>>, vector<1x1xf32>,
    } else {
    }
    return
  }
  func.func @transform_0(%arg0: i32) -> (i32, i32) {
    %c0_i32 = arith.constant 0 : i32
    %c0_i32_0 = arith.constant 0 : i32
    %c0_i32_1 = arith.constant 0 : i32
    return %c0_i32, %c0_i32_0 : i32, i32
  }
  func.func @transform_1(%arg0: i32) -> (i32, i32) {
    %c0_i32 = arith.constant 0 : i32
    %c0_i32_0 = arith.constant 0 : i32
    %c0_i32_1 = arith.constant 0 : i32
    return %c0_i32, %c0_i32_0 : i32, i32
  }
  func.func @transform_2(%arg0: i32) -> (i32, i32) {
    %c0_i32 = arith.constant 0 : i32
    %c0_i32_0 = arith.constant 0 : i32
    %c0_i32_1 = arith.constant 0 : i32
    return %c0_i32, %c0_i32_0 : i32, i32
  }
  func.func @transform_3(%arg0: i32) -> (i32, i32) {
    %c0_i32 = arith.constant 0 : i32
    %c0_i32_0 = arith.constant 0 : i32
    %c0_i32_1 = arith.constant 0 : i32
    return %c0_i32, %c0_i32_0 : i32, i32
  }
  func.func @transform_4(%arg0: i32) -> (i32, i32) {
    %min3A = arith.constant 9 : i32
    %min3A_0 = arith.minsi %arg0, %min3A : i32
    %c0_i32 = arith.constant 0 : i32
    %c0_i32_1 = arith.constant 0 : i32
    return %min3A_0, %c0_i32 : i32, i32
  }
  func.func @transform_5(%arg0: i32) -> (i32, i32) {
    %sub3A = arith.constant 10 : i32
    %sub3A_0 = arith.subi %arg0, %sub3A : i32
    %max3A = arith.constant 0 : i32
    %max3A_1 = arith.maxsi %sub3A_0, %max3A : i32
    %c0_i32 = arith.constant 0 : i32
    %c0_i32_2 = arith.constant 0 : i32
    return %max3A_1, %c0_i32 : i32, i32
  }
  func.func @transform_6(%arg0: i32) -> (i32, i32) {
    %c0_i32 = arith.constant 0 : i32
    %c0_i32_0 = arith.constant 0 : i32
    %c0_i32_1 = arith.constant 0 : i32
    return %c0_i32, %c0_i32_0 : i32, i32
  }
}

</mosaic_0001>

<sc_bundles>
// kernel: kernel.4.cloned.1.call-start
scs
__scs_entry_jumppad:
0x0: {  	(pc) =	sbr.rel $0x88, $3  }
0x1: {  	(tag) =	ssettag $0x0;
	lr =	simm.s32 $0x1  }
0x2: {  	[smem:$0x3F9C] =	sst lr;
	_ =	strace $0xD0000000  }
0x3: {  	_ = 	snop  }
0x4: {  	_ = 	snop  }
0x5: {  	_ = 	snop  }
0x6: {  	_ = 	snop  }
0x7: {  	_ = 	snop  }
__scs_overlays_trampoline_lowered:
0x8: {  	[smem:$0x3FAB] =	sst s0  }
0x9: {  	[smem:$0x3FAC] =	sst s1  }
0xa: {  	[smem:$0x3FAD] =	sst s2  }
0xb: {  	[smem:$0x3FAE] =	sst s3  }
0xc: {  	[smem:$0x3FAF] =	sst s4  }
0xd: {  	[smem:$0x3FB0] =	sst s5  }
0xe: {  	[smem:$0x3FB1] =	sst s6  }
0xf: {  	[smem:$0x3FB2] =	sst s7  }
0x10: {  	[smem:$0x3FB3] =	sst s8  }
0x11: {  	[smem:$0x3FB4] =	sst s9;
	s0 =	simm.s32 @!p0 $0x0  }
0x12: {  	s1 =	sld [smem:$0x3F9A];
	s0 =	simm.s32 @p0 $0x1  }
0x13: {  	[smem:$0x3FB5] =	sst s0;
	s0 =	simm.s32 @!p1 $0x0  }
0x14: {  	s2 =	sld [smem:$0x3F99];
	s0 =	simm.s32 @p1 $0x1  }
0x15: {  	[smem:$0x3FB6] =	sst s0;
	s0 =	simm.s32 @!p2 $0x0  }
0x16: {  	s3 =	sld [smem:$0x3FDB];
	s0 =	simm.s32 @p2 $0x1  }
0x17: {  	s4 =	simm.s32 $0x1BF5;
	[smem:$0x3FB8] =	sst s0  }
0x18: {  	s0 =	sld [smem:$0x3F9B];
	_ =	swait.ge [sflag:s4], $0x0  }
0x19: {  	s7 =	sld [smem:$0x3F9C]  }
0x1a: {  	s8 =	sadd.s32 $0xFFFFE003, lr  }
0x1b: {  	s9 =	sadd.s32 $0xFFFFFEF7, lr;
	s5 =	simm.s32 $0xFFFFFFFF;
	p2 =	slt.u32 s8, $0xFFFFF086  }
0x1c: {  	p1 =	slt.u32 s9, $0xF7A;
	s5 =	simm.s32 @!p2 $0x0  }
0x1d: {  	s5 =	simm.s32 @p1 $0x1;
	p0 =	seq.s32 s7, s2  }
0x1e: {  	s7 =	smul.u32 @!p0 $0xF7A, s2;
	p2 =	seq.s32 @!p0 s5, $0x0  }
0x1f: {  	s9 =	smul.u32 $0xF7A, s1;
	s8 =	simm.s32 @!p0 $0x1BF5;
	p2 =	por !p2, p0  }
0x20: {  	[sflag:s8] =	ssyncset.s32 @!p0 $0xFFFFF086;
	s6 =	sadd.s32 @!p0 s3, s7;
	s7 =	simm.s32 @!p0 $0x108  }
0x21: {  	s3 =	sadd.s32 s3, s9;
	s6 =	sadd.s32 @!p0 $0x88, s6;
	s7 =	simm.s32 @p2 $0x1082  }
0x22: {  	[simem:s7], [sflag:s8] =	dma.local @!p0 [hbm:s6], $0xF7A  }
0x23: {  	s9 =	sor.u32 $0xD0000000, s2;
	s6 =	simm.s32 $0x108;
	_ =	swait.ge @!p0 [sflag:s8], $0x0  }
0x24: {  	s3 =	sadd.s32 $0x88, s3;
	s6 =	simm.s32 @!p1 $0x1082;
	[sflag:s4] =	ssyncset.s32 $0xFFFFF086  }
0x25: {  	[simem:s6], [sflag:s4] =	dma.local [hbm:s3], $0xF7A  }
0x26: {  	[smem:$0x3F9C] =	sst s1;
	(tag) =	ssettag s2;
	_ =	strace s9  }
0x27: {  	s1 =	sld [smem:$0x3FAC]  }
0x28: {  	s2 =	sld [smem:$0x3FAD]  }
0x29: {  	s4 =	sld [smem:$0x3FAF]  }
0x2a: {  	p0 =	seq.s32 s5, $0x0;
	s5 =	sld [smem:$0x3FB0]  }
0x2b: {  	s6 =	sld [smem:$0x3FB1]  }
0x2c: {  	s7 =	sld [smem:$0x3FB2]  }
0x2d: {  	s3 =	simm.s32 $0x108;
	s8 =	sld [smem:$0x3FB3]  }
0x2e: {  	s3 =	simm.s32 @!p0 $0x1082;
	s9 =	sld [smem:$0x3FB4]  }
0x2f: {  	lr =	sadd.s32 s0, s3;
	s0 =	sld [smem:$0x3FAB]  }
0x30: {  	s3 =	sld [smem:$0x3FAE]  }
0x31: {  	[smem:$0x3FB7] =	sst s10  }
0x32: {  	s10 =	sld [smem:$0x3FB5];
	_ =	sdelay $0x3  }
0x33: {  	p0 =	seq.s32 s10, $0x1;
	s10 =	sld [smem:$0x3FB7];
	_ =	sdelay $0x3  }
0x34: {  	[smem:$0x3FB7] =	sst s10  }
0x35: {  	s10 =	sld [smem:$0x3FB6];
	_ =	sdelay $0x3  }
0x36: {  	p1 =	seq.s32 s10, $0x1;
	s10 =	sld [smem:$0x3FB7];
	_ =	sdelay $0x3  }
0x37: {  	[smem:$0x3FB7] =	sst s10  }
0x38: {  	s10 =	sld [smem:$0x3FB8]  }
0x39: {  	_ = 	snop;
	(pc) =	sbr.ind lr, $3  }
0x3a: {  	_ = 	snop  }
0x3b: {  	_ = 	snop  }
0x3c: {  	p2 =	seq.s32 s10, $0x1;
	s10 =	sld [smem:$0x3FB7]  }
0x3d: {  	_ =	shalt  }
0x3e: {  	_ =	shalt  }
0x3f: {  	_ =	shalt  }
0x40: {  	_ =	shalt  }
0x41: {  	_ =	shalt  }
0x42: {  	_ =	shalt  }
0x43: {  	_ =	shalt  }
0x44: {  	_ =	shalt  }
0x45: {  	_ =	shalt  }
0x46: {  	_ =	shalt  }
0x47: {  	_ =	shalt  }
0x48: {  	_ =	shalt  }
0x49: {  	_ =	shalt  }
0x4a: {  	_ =	shalt  }
0x4b: {  	_ =	shalt  }
0x4c: {  	_ =	shalt  }
0x4d: {  	_ =	shalt  }
0x4e: {  	_ =	shalt  }
0x4f: {  	_ =	shalt  }
0x50: {  	_ =	shalt  }
0x51: {  	_ =	shalt  }
0x52: {  	_ =	shalt  }
0x53: {  	_ =	shalt  }
0x54: {  	_ =	shalt  }
0x55: {  	_ =	shalt  }
0x56: {  	_ =	shalt  }
0x57: {  	_ =	shalt  }
0x58: {  	_ =	shalt  }
0x59: {  	_ =	shalt  }
0x5a: {  	_ =	shalt  }
0x5b: {  	_ =	shalt  }
0x5c: {  	_ =	shalt  }
0x5d: {  	_ =	shalt  }
0x5e: {  	_ =	shalt  }
0x5f: {  	_ =	shalt  }
0x60: {  	_ =	shalt  }
0x61: {  	_ =	shalt  }
0x62: {  	_ =	shalt  }
0x63: {  	_ =	shalt  }
0x64: {  	_ =	shalt  }
0x65: {  	_ =	shalt  }
0x66: {  	_ =	shalt  }
0x67: {  	_ =	shalt  }
0x68: {  	_ =	shalt  }
0x69: {  	_ =	shalt  }
0x6a: {  	_ =	shalt  }
0x6b: {  	_ =	shalt  }
0x6c: {  	_ =	shalt  }
0x6d: {  	_ =	shalt  }
0x6e: {  	_ =	shalt  }
0x6f: {  	_ =	shalt  }
0x70: {  	_ =	shalt  }
0x71: {  	_ =	shalt  }
0x72: {  	_ =	shalt  }
0x73: {  	_ =	shalt  }
0x74: {  	_ =	shalt  }
0x75: {  	_ =	shalt  }
0x76: {  	_ =	shalt  }
0x77: {  	_ =	shalt  }
0x78: {  	_ =	shalt  }
0x79: {  	_ =	shalt  }
0x7a: {  	_ =	shalt  }
0x7b: {  	_ =	shalt  }
0x7c: {  	_ =	shalt  }
0x7d: {  	_ =	shalt  }
0x7e: {  	_ =	shalt  }
0x7f: {  	_ =	shalt  }
0x80: {  	_ =	shalt  }
0x81: {  	_ =	shalt  }
0x82: {  	_ =	shalt  }
0x83: {  	_ =	shalt  }
0x84: {  	_ =	shalt  }
0x85: {  	_ =	shalt  }
0x86: {  	_ =	shalt  }
0x87: {  	_ =	shalt  }
.Lfunc_end0:
.L_simem_size_0:
called_computation_lowered:
.L_overlay_start_0:
0x88: {  	s2 =	sld [smem:$0x3FD9]  }
0x89: {  	s3 =	sld [smem:$0x3FFE];
	_ =	sdelay $0x1  }
0x8a: {  	s1 =	srdreg.scid  }
0x8b: {  	s0 =	sand.u32 $0x1, s1  }
0x8c: {  	s17 =	sshll.u32 s0, $0xA;
	s2 =	sadd.s32 s3, s2  }
0x8d: {  	s2 =	sadd.s32 s2, s17  }
0x8e: {  	[smem:$0x3FC3] =	sst s2  }
0x8f: {  	_ = 	snop  }
0x90: {  	s2 =	sld [smem:$0x3FC6];
	(tm) =	ssettm $0x1  }
0x91: {  	s18 =	sld [smem:$0x3FFB];
	_ =	sdelay $0x3  }
0x92: {  	_ =	strace s18  }
0x93: {  	s3 =	sld [smem:$0x3FFC];
	_ =	sdelay $0x3  }
0x94: {  	_ =	strace s3  }
0x95: {  	s3 =	sld [smem:$0x3FFD];
	_ =	sdelay $0x3  }
0x96: {  	_ =	strace s3  }
0x97: {  	_ =	strace $0x8FFFFFFF  }
0x98: {  	s19 =	sld [smem:$0x3FDB];
	_ =	sdelay $0x1  }
0x99: {  	s4 =	simm.s32 $_scs_section_size  }
0x9a: {  	s5 =	simm.s32 $_size__tile_overlayer_lowered;
	s6 =	simm.s32 $_tile_overlayer_lowered  }
0x9b: {  	s22 =	simm.s32 $0x1BFF;
	s21 =	sshll.u32 s6, $0x1;
	s3 =	sadd.s32 s4, s19  }
0x9c: {  	s7 =	simm.s32 $0x0;
	s20 =	sshll.u32 s5, $0x1;
	s5 =	sadd.s32 s21, s3  }
0x9d: {  	[timem:s7], [sflag:s22] =	dma.local [hbm:s5], s20  }
0x9e: {  	_ =	swait.ge [sflag:s22], s20  }
0x9f: {  	s4 =	ssub.s32 $0x0, s20;
	[sflag:s22] =	ssyncset.done $0x0  }
0xa0: {  	[sflag:s22] =	ssyncadd.s32 s4;
	_ =	sdelay $0x1  }
0xa1: {  	s23 =	simm.s32 $0x1B8B  }
0xa2: {  	_ =	swait.ge [sflag:s23], $0x1  }
0xa3: {  	[sflag:s23] =	ssyncset.done $0x0  }
0xa4: {  	s25 =	simm.s32 $0x1B8E;
	s24 =	sld [smem:$0x3FFE];
	[sflag:s23] =	ssyncadd.s32 $0xFFFFFFFF  }
0xa5: {  	s26 =	simm.s32 $execute0_lowered;
	[smem:$0x3FD2] =	sst s25  }
0xa6: {  	s5 =	sshll.u32 s26, $0x1;
	_ =	strace $0x80000046;
	[dreg:$0x1] =	wrdreg $0xFFFFFFFF  }
0xa7: {  	s28 =	simm.s32 $_size_execute0_lowered;
	s3 =	sadd.s32 s3, s5;
	[dreg:$0x0] =	wrdreg $0x0  }
0xa8: {  	s5 =	sshll.u32 s28, $0x1;
	[dreg:$0x2] =	wrdreg s3  }
0xa9: {  	[dreg:$0x3] =	wrdreg s5  }
0xaa: {  	[dreg:$0x4] =	wrdreg $0xC0  }
0xab: {  	_ =	task [dreg:s7], $0x5FFFF  }
0xac: {  	[dreg:$0x1] =	wrdreg $0xFFFFFFFF  }
0xad: {  	[dreg:$0x0] =	wrdreg $0x60  }
0xae: {  	[dreg:$0x2] =	wrdreg s2  }
0xaf: {  	[dreg:$0x3] =	wrdreg s24  }
0xb0: {  	[dreg:$0x4] =	wrdreg $0x9  }
0xb1: {  	_ =	task.clear_ibuf [dreg:s7], $0x5FFFF;
	_ =	strace $0x90000046  }
0xb2: {  	s29 =	simm.s32 $0x9;
	_ =	strace $0x80000048  }
0xb3: {  	_ =	swait.ge [sflag:s29], $0x1  }
0xb4: {  	[sflag:s29] =	ssyncadd.s32 $0xFFFFFFFF  }
0xb5: {  	_ =	strace $0x90000048  }
0xb6: {  	_ =	sfence  }
0xb7: {  	s30 =	sld [smem:$0x0];
	_ =	sdelay $0x2  }
0xb8: {  	s31 =	sshll.u32 s1, $0xD;
	s1 =	sshrl.u32 s1, $0x2  }
0xb9: {  	s3 =	sand.u32 $0x4000, s31;
	s1 =	sadd.s32 s1, s30  }
0xba: {  	s0 =	sor.u32 s3, s0;
	s1 =	sshll.u32 s1, $0x11  }
0xbb: {  	s0 =	sor.u32 s1, s0  }
0xbc: {  	s0 =	sadd.s32 $0x8F2B, s0  }
0xbd: {  	[sflag:s0] =	ssyncadd.remote.s32 $0x1  }
0xbe: {  	_ =	sfence.sel $0xFFFF  }
0xbf: {  	[dreg:$0x0] =	wrdreg $0xFFFFFFFF;
	(pc) =	sbr.abs _section_cstart, $3  }
0xc0: {  	[dreg:$0x1] =	wrdreg $0xFFFFFFFF  }
0xc1: {  	_ =	task.clear_ibuf [dreg:s7], $0x2FFFF;
	_ =	strace $0x9FFFFFFF  }
0xc2: {  	(tm) =	ssettm $0x7FFFFFFF  }
0xc3: {  	_ =	shalt  }
tec
execute0_lowered:
.L_overlay_start_1:
0x0: {  	(tag) =	ssettag $0x1  }
0x1: {  	s1 =	srdreg.scid  }
0x2: {  	s0 =	stileid.u32;
	s2 =	rddreg [dreg:$0x0];
	s6 =	sand.u32 $0x1, s1  }
0x3: {  	s9 =	rddreg [dreg:$0x1];
	s30 =	sshll.u32 s0, $0x6;
	s3 =	sshll.u32 s6, $0x5  }
0x4: {  	s7 =	simm.s32 $0x80;
	s8 =	simm.s32 $0x1;
	s10 =	sor.u32 s3, s30  }
0x5: {  	s1 =	rddreg [dreg:$0x2];
	s3 =	simm.s32 $0x0;
	s4 =	sshrl.u32 s10, $0x3  }
0x6: {  	s11 =	ssub.s32 $0x2, s6;
	[smem:$0x7FF] =	sst s3;
	s4 =	sadd.s32 s4, s9  }
0x7: {  	_ =	strace $0x80000047;
	s5 =	sadd.s32 $0xE00, s4;
	s4 =	simm.s32 $0x2  }
0x8: {  	[tilespmem:s3], [sflag:$0x2] =	stream.linear.gather [hbm4b:s5+s3], $0x20, $0x38;
	[tilespmem:$0x1080] =	vst v63  }
0x9: {  	s6 =	simm.s32 $0x20;
	s12 =	sshrl.u32 s11, $0x1;
	_ =	swait.ge [sflag:s4], $0x20  }
0xa: {  	s10 =	sshll.u32 s10, $0x4;
	s31 =	ssub.s32 s11, s12;
	[sflag:s4] =	ssyncset.done $0x0  }
0xb: {  	s9 =	sadd.s32 s10, s9;
	s10 =	smax.u32 s31, $0x1;
	[sflag:s4] =	ssyncadd.s32 $0xFFFFFFE0  }
0xc: {  	[tilespmem:s7], [sflag:$0x1] =	stream.indirect.gather [hbm4b:s2+s6], $0x80, s3, s6, $0xb8;
	[tilespmem:$0x1080] =	vst v63  }
0xd: {  	p0 =	sne.s32 s10, $0x1;
	_ =	swait.ge [sflag:s8], $0x1000  }
.Ltmp0:
0xe: {  	[sflag:s8] =	ssyncset.done $0x0;
	(pc) =	sbr.rel @!p0 .LBB2_2-.Ltmp0, $4  }
0xf: {  	s9 =	sadd.s32 $0x1000, s9;
	[sflag:s8] =	ssyncadd.s32 $0xFFFFF000  }
0x10: {  	[hbm4b:s9+s3] =	stream.linear.scatter [tilespmem:s7], [sflag:$0x2], $0x1000, $0x38;
	[tilespmem:$0x1080] =	vst v63  }
0x11: {  	_ =	swait.ge [sflag:s4], $0x1000  }
0x12: {  	s10 =	sadd.s32 $0xFFFFFFFF, s10;
	[sflag:s4] =	ssyncset.done $0x0  }
.LBB2_1:
0x13: {  	p0 =	sne.s32 s10, $0x1;
	s10 =	sadd.s32 $0xFFFFFFFF, s10;
	[sflag:s4] =	ssyncadd.s32 $0xFFFFF000  }
0x14: {  	[tilespmem:s3], [sflag:$0x2] =	stream.linear.gather [hbm4b:s5+s3], $0x20, $0x38;
	[tilespmem:$0x1080] =	vst v63  }
0x15: {  	_ =	swait.ge [sflag:s4], $0x20  }
0x16: {  	[sflag:s4] =	ssyncset.done $0x0  }
0x17: {  	[sflag:s4] =	ssyncadd.s32 $0xFFFFFFE0  }
0x18: {  	[tilespmem:s7], [sflag:$0x1] =	stream.indirect.gather [hbm4b:s2+s6], $0x80, s3, s6, $0xb8;
	[tilespmem:$0x1080] =	vst v63  }
0x19: {  	_ =	swait.ge [sflag:s8], $0x1000  }
.Ltmp1:
0x1a: {  	[sflag:s8] =	ssyncset.done $0x0;
	(pc) =	sbr.rel @p0 .LBB2_1-.Ltmp1, $4  }
0x1b: {  	[sflag:s8] =	ssyncadd.s32 $0xFFFFF000  }
0x1c: {  	[hbm4b:s9+s3] =	stream.linear.scatter [tilespmem:s7], [sflag:$0x2], $0x1000, $0x38;
	[tilespmem:$0x1080] =	vst v63  }
0x1d: {  	_ =	swait.ge [sflag:s4], $0x1000  }
0x1e: {  	[sflag:s4] =	ssyncset.done $0x0  }
.LBB2_2:
0x1f: {  	[sflag:s4] =	ssyncadd.s32 $0xFFFFF000  }
0x20: {  	_ =	sfence.sel $0x180000  }
0x21: {  	[bflag:$0x0] =	sbarrier.arrive $0xFFFF  }
0x22: {  	p0 =	sne.s32 s0, $0x0;
	_ =	strace $0x90000047  }
0x23: {  	s0 =	sadd.s32 @!p0 $0x100000, s1;
	[bflag:$0x2] =	sbarrier.arrive $0xFFFF  }
0x24: {  	[sflag:s0] =	ssyncadd.tile.s32 @!p0 $0x1;
	_ =	shalt  }
.Lfunc_end2:
_tile_overlayer_lowered:
.L_overlay_start_2:
0x25: {  	(tag) =	ssettag $0x2  }
0x26: {  	s0 =	rddreg [dreg:$0x0];
	s2 =	stileid.u32  }
0x27: {  	s1 =	rddreg [dreg:$0x1];
	p0 =	sne.s32 s2, $0x0  }
0x28: {  	s3 =	rddreg [dreg:$0x2];
	[bflag:$0x3] =	sbarrier.arrive $0xFFFF;
	s2 =	simm.s32 @!p0 $0x1C02  }
0x29: {  	[timem:s3], [sflag:s2] =	dma.local @!p0 [hbm:s0], s1  }
0x2a: {  	s0 =	simm.s32 @!p0 $0x2  }
0x2b: {  	_ =	swait.ge @!p0 [sflag:s0], s1  }
0x2c: {  	s1 =	ssub.s32 @!p0 $0x0, s1;
	[sflag:s0] =	ssyncset.done @!p0 $0x0  }
0x2d: {  	[sflag:s0] =	ssyncadd.s32 @!p0 s1  }
0x2e: {  	[bflag:$0x3] =	sbarrier.arrive $0xFFFF  }
0x2f: {  	_ =	shalt  }

</sc_bundles>
